<compile_context>
chip_gen: v7x
topology: tpu7x:2x2x1
jax: 0.10.2.dev20260603
libtpu: 0.0.44.dev20260713+nightly
codegen_flags: <defaults>
</compile_context>

<pallas_src>
import functools

import jax
import jax.numpy as jnp
from jax import lax
from jax.experimental import pallas as pl
from jax.experimental.pallas import tpu as pltpu
from jax.experimental.pallas import tpu_sc as plsc

_LANES = 16
_UNROLL = 8
_WPB = 4
_MCH = 2


def _build(B, S, D):
    mesh = plsc.VectorSubcoreMesh(
        core_axis_name="c", subcore_axis_name="s",
        num_cores=1, num_subcores=B * _WPB,
    )
    dchunk = D // _WPB
    mchunk = S // _MCH
    span = _LANES * _UNROLL

    @functools.partial(
        pl.kernel,
        mesh=mesh,
        out_type=jax.ShapeDtypeStruct((B, D), jnp.float32),
        scratch_types=[
            pltpu.VMEM((S,), jnp.int32),
            pltpu.VMEM((dchunk,), jnp.float32),
        ]
        + [pltpu.SemaphoreType.DMA for _ in range(_MCH)],
    )
    def body(emb_hbm, mask_hbm, out_hbm, mask_v, row_v, *sems):
        sid = lax.axis_index("s")
        b = sid // _WPB
        q = sid % _WPB

        copies = [
            pltpu.async_copy(
                mask_hbm.at[b, pl.ds(k * mchunk, mchunk)],
                mask_v.at[pl.ds(k * mchunk, mchunk)],
                sems[k],
            )
            for k in range(_MCH)
        ]

        def reduce_chunk(k, accs):
            def step(i, accs):
                base = k * mchunk + i * span
                return tuple(
                    a + mask_v[pl.ds(base + u * _LANES, _LANES)]
                    for u, a in enumerate(accs)
                )

            return lax.fori_loop(0, mchunk // span, step, accs)

        accs = tuple(jnp.zeros((_LANES,), jnp.int32) for _ in range(_UNROLL))
        for k in range(_MCH):
            copies[k].wait()
            accs = reduce_chunk(k, accs)

        acc = accs[0]
        for a in accs[1:]:
            acc = acc + a
        total = acc[0]
        for lane in range(1, _LANES):
            total = total + acc[lane]

        idx = b * S + total - 1
        off = q * dchunk
        pltpu.sync_copy(emb_hbm.at[idx, pl.ds(off, dchunk)], row_v)
        pltpu.sync_copy(row_v, out_hbm.at[b, pl.ds(off, dchunk)])

    return body


def kernel(token_embeddings, attention_mask):
    B, S, D = token_embeddings.shape
    emb2d = token_embeddings.reshape(B * S, D)
    return _build(B, S, D)(emb2d, attention_mask)

# --- scband reference (transcript-rebuilt; emitter-appended) ---
"""Pipeline reference for scband-last-token-pooler-9457517986232 (READ-ONLY COPY).

The authoritative reference and input builder live on the scoring server;
editing this copy changes nothing except your own understanding.
"""

import jax, jax.numpy as jnp
import numpy as np

B, S, D = 4, 4096, 4096

def setup_inputs(seed: int = 0) -> dict:
    key = jax.random.key(seed)
    k1, k2 = jax.random.split(key)
    token_embeddings = jax.random.normal(k1, (B, S, D), dtype=jnp.float32)
    attention_mask = jnp.ones((B, S), dtype=jnp.int32)
    return {"token_embeddings": token_embeddings, "attention_mask": attention_mask}

def reference(token_embeddings, attention_mask):
    # features['token_embeddings'], features['attention_mask'] flattened to args
    seq_lengths = jnp.sum(attention_mask, axis=1) - 1  # [B]
    batch_indices = jnp.arange(token_embeddings.shape[0])
    last_token_embeddings = token_embeddings[batch_indices, seq_lengths]  # [B, D]
    # original module stores this as features['sentence_embedding']; return the array
    return last_token_embeddings

if __name__ == "__main__":
    import jax
    _d = setup_inputs()
    print(jax.jit(kernel)(*tuple(_d.values())))

</pallas_src>

<mosaic_0001>
#map = affine_map<(d0, d1) -> (0, 0)>
module attributes {stable_mosaic.version = 14 : i64} {
  func.func @body(%arg0: i32, %arg1: i32, %arg2: memref<16384x4096xf32, #tpu.memory_space<hbm>>, %arg3: memref<4x4096xi32, #tpu.memory_space<hbm>>, %arg4: memref<4x4096xf32, #tpu.memory_space<hbm>>, %arg5: memref<4096xi32, #tpu.memory_space<vmem>>, %arg6: memref<1024xf32, #tpu.memory_space<vmem>>, %arg7: memref<!tpu.dma_semaphore, #tpu.memory_space<semaphore_mem>>, %arg8: memref<!tpu.dma_semaphore, #tpu.memory_space<semaphore_mem>>) attributes {dimension_semantics = [#tpu.dimension_semantics<core_parallel>, #tpu.dimension_semantics<subcore_parallel>], iteration_bounds = array<i64: 1, 16>, scalar_prefetch = 0 : i64, scratch_operands = 4 : i64, tpu.core_type = #tpu.core_type<sc_vector_subcore>, window_params = [{transform_indices = #map}, {transform_indices = #map}, {transform_indices = #map}]} {
    %jit3A = arith.constant 4 : i32
    %div3A = arith.divsi %arg1, %jit3A : i32
    %sign3A = arith.constant 0 : i32
    %sign3A_0 = arith.cmpi sgt, %arg1, %sign3A : i32
    %sign3A_1 = arith.extui %sign3A_0 : i1 to i32
    %sign3A_2 = arith.constant 0 : i32
    %sign3A_3 = arith.cmpi slt, %arg1, %sign3A_2 : i32
    %sign3A_4 = arith.extui %sign3A_3 : i1 to i32
    %sign3A_5 = arith.subi %sign3A_1, %sign3A_4 : i32
    %sign3A_6 = arith.constant 0 : i32
    %sign3A_7 = arith.cmpi sgt, %jit3A, %sign3A_6 : i32
    %sign3A_8 = arith.extui %sign3A_7 : i1 to i32
    %sign3A_9 = arith.constant 0 : i32
    %sign3A_10 = arith.cmpi slt, %jit3A, %sign3A_9 : i32
    %sign3A_11 = arith.extui %sign3A_10 : i1 to i32
    %sign3A_12 = arith.subi %sign3A_8, %sign3A_11 : i32
    %ne3A = arith.cmpi ne, %sign3A_5, %sign3A_12 : i32
    %rem3A = arith.remsi %arg1, %jit3A : i32
    %ne3A_13 = arith.constant 0 : i32
    %ne3A_14 = arith.cmpi ne, %rem3A, %ne3A_13 : i32
    %and3A = arith.andi %ne3A, %ne3A_14 : i1
    %sub3A = arith.constant 1 : i32
    %sub3A_15 = arith.subi %div3A, %sub3A : i32
    %select_n3A = arith.select %and3A, %sub3A_15, %div3A : i32
    %jit3A_16 = arith.constant 4 : i32
    %eq3A = arith.constant 0 : i32
    %eq3A_17 = arith.cmpi eq, %jit3A_16, %eq3A : i32
    %jit3A_18 = arith.constant 1 : i32
    %select_n3A_19 = arith.select %eq3A_17, %jit3A_18, %jit3A_16 : i32
    %rem3A_20 = arith.remsi %arg1, %select_n3A_19 : i32
    %ne3A_21 = arith.constant 0 : i32
    %ne3A_22 = arith.cmpi ne, %rem3A_20, %ne3A_21 : i32
    %lt3A = arith.constant 0 : i32
    %lt3A_23 = arith.cmpi slt, %rem3A_20, %lt3A : i32
    %lt3A_24 = arith.constant 0 : i32
    %lt3A_25 = arith.cmpi slt, %select_n3A_19, %lt3A_24 : i32
    %ne3A_26 = arith.xori %lt3A_23, %lt3A_25 : i1
    %and3A_27 = arith.andi %ne3A_26, %ne3A_22 : i1
    %add3A = arith.addi %rem3A_20, %select_n3A_19 : i32
    %select_n3A_28 = arith.select %and3A_27, %add3A, %rem3A_20 : i32
    %dma_start3A = arith.constant 0 : i32
    %dma_start3A_29 = tpu.memref_slice %arg5[%dma_start3A] : memref<4096xi32, #tpu.memory_space<vmem>> -> memref<2048xi32, #tpu.memory_space<vmem>>
    %dma_start3A_30 = arith.constant 0 : i32
    %dma_start3A_31 = tpu.memref_slice %arg3[%select_n3A, %dma_start3A_30] : memref<4x4096xi32, #tpu.memory_space<hbm>> -> memref<1x2048xi32, #tpu.memory_space<hbm>>
    %dma_start3A_32 = tpu.memref_squeeze %dma_start3A_31 : memref<1x2048xi32, #tpu.memory_space<hbm>> -> memref<2048xi32, #tpu.memory_space<hbm>>
    %dma_start3A_33 = arith.constant 0 : i32
    %dma_start3A_34 = tpu.memref_slice %arg5[%dma_start3A_33] : memref<4096xi32, #tpu.memory_space<vmem>> -> memref<2048xi32, #tpu.memory_space<vmem>>
    %dma_start3A_35 = arith.constant 0 : i32
    %dma_start3A_36 = tpu.memref_slice %arg3[%select_n3A, %dma_start3A_35] : memref<4x4096xi32, #tpu.memory_space<hbm>> -> memref<1x2048xi32, #tpu.memory_space<hbm>>
    %dma_start3A_37 = tpu.memref_squeeze %dma_start3A_36 : memref<1x2048xi32, #tpu.memory_space<hbm>> -> memref<2048xi32, #tpu.memory_space<hbm>>
    tpu.enqueue_dma source(%dma_start3A_37 : memref<2048xi32, #tpu.memory_space<hbm>>) target(%dma_start3A_34 : memref<2048xi32, #tpu.memory_space<vmem>>) target_semaphore(%arg7 : memref<!tpu.dma_semaphore, #tpu.memory_space<semaphore_mem>>)
    %dma_start3A_38 = arith.constant 2048 : i32
    %dma_start3A_39 = tpu.memref_slice %arg5[%dma_start3A_38] : memref<4096xi32, #tpu.memory_space<vmem>> -> memref<2048xi32, #tpu.memory_space<vmem>>
    %dma_start3A_40 = arith.constant 2048 : i32
    %dma_start3A_41 = tpu.memref_slice %arg3[%select_n3A, %dma_start3A_40] : memref<4x4096xi32, #tpu.memory_space<hbm>> -> memref<1x2048xi32, #tpu.memory_space<hbm>>
    %dma_start3A_42 = tpu.memref_squeeze %dma_start3A_41 : memref<1x2048xi32, #tpu.memory_space<hbm>> -> memref<2048xi32, #tpu.memory_space<hbm>>
    %dma_start3A_43 = arith.constant 2048 : i32
    %dma_start3A_44 = tpu.memref_slice %arg5[%dma_start3A_43] : memref<4096xi32, #tpu.memory_space<vmem>> -> memref<2048xi32, #tpu.memory_space<vmem>>
    %dma_start3A_45 = arith.constant 2048 : i32
    %dma_start3A_46 = tpu.memref_slice %arg3[%select_n3A, %dma_start3A_45] : memref<4x4096xi32, #tpu.memory_space<hbm>> -> memref<1x2048xi32, #tpu.memory_space<hbm>>
    %dma_start3A_47 = tpu.memref_squeeze %dma_start3A_46 : memref<1x2048xi32, #tpu.memory_space<hbm>> -> memref<2048xi32, #tpu.memory_space<hbm>>
    tpu.enqueue_dma source(%dma_start3A_47 : memref<2048xi32, #tpu.memory_space<hbm>>) target(%dma_start3A_44 : memref<2048xi32, #tpu.memory_space<vmem>>) target_semaphore(%arg8 : memref<!tpu.dma_semaphore, #tpu.memory_space<semaphore_mem>>)
    %broadcast_in_dim3A = arith.constant 0 : i32
    %broadcast_in_dim3A_48 = vector.broadcast %broadcast_in_dim3A : i32 to vector<16xi32>
    %broadcast_in_dim3A_49 = arith.constant 0 : i32
    %broadcast_in_dim3A_50 = vector.broadcast %broadcast_in_dim3A_49 : i32 to vector<16xi32>
    %broadcast_in_dim3A_51 = arith.constant 0 : i32
    %broadcast_in_dim3A_52 = vector.broadcast %broadcast_in_dim3A_51 : i32 to vector<16xi32>
    %broadcast_in_dim3A_53 = arith.constant 0 : i32
    %broadcast_in_dim3A_54 = vector.broadcast %broadcast_in_dim3A_53 : i32 to vector<16xi32>
    %broadcast_in_dim3A_55 = arith.constant 0 : i32
    %broadcast_in_dim3A_56 = vector.broadcast %broadcast_in_dim3A_55 : i32 to vector<16xi32>
    %broadcast_in_dim3A_57 = arith.constant 0 : i32
    %broadcast_in_dim3A_58 = vector.broadcast %broadcast_in_dim3A_57 : i32 to vector<16xi32>
    %broadcast_in_dim3A_59 = arith.constant 0 : i32
    %broadcast_in_dim3A_60 = vector.broadcast %broadcast_in_dim3A_59 : i32 to vector<16xi32>
    %broadcast_in_dim3A_61 = arith.constant 0 : i32
    %broadcast_in_dim3A_62 = vector.broadcast %broadcast_in_dim3A_61 : i32 to vector<16xi32>
    %dma_wait3A = arith.constant 0 : i32
    %dma_wait3A_63 = tpu.memref_slice %arg5[%dma_wait3A] : memref<4096xi32, #tpu.memory_space<vmem>> -> memref<2048xi32, #tpu.memory_space<vmem>>
    %dma_wait3A_64 = arith.constant 0 : i32
    %dma_wait3A_65 = tpu.memref_slice %arg3[%select_n3A, %dma_wait3A_64] : memref<4x4096xi32, #tpu.memory_space<hbm>> -> memref<1x2048xi32, #tpu.memory_space<hbm>>
    %dma_wait3A_66 = tpu.memref_squeeze %dma_wait3A_65 : memref<1x2048xi32, #tpu.memory_space<hbm>> -> memref<2048xi32, #tpu.memory_space<hbm>>
    %dma_wait3A_67 = arith.constant 0 : i32
    %dma_wait3A_68 = tpu.memref_slice %arg5[%dma_wait3A_67] : memref<4096xi32, #tpu.memory_space<vmem>> -> memref<2048xi32, #tpu.memory_space<vmem>>
    %dma_wait3A_69 = arith.constant 0 : i32
    %dma_wait3A_70 = tpu.memref_slice %arg3[%select_n3A, %dma_wait3A_69] : memref<4x4096xi32, #tpu.memory_space<hbm>> -> memref<1x2048xi32, #tpu.memory_space<hbm>>
    %dma_wait3A_71 = tpu.memref_squeeze %dma_wait3A_70 : memref<1x2048xi32, #tpu.memory_space<hbm>> -> memref<2048xi32, #tpu.memory_space<hbm>>
    tpu.wait_dma2 semaphore(%arg7 : memref<!tpu.dma_semaphore, #tpu.memory_space<semaphore_mem>>) src(%dma_wait3A_71 : memref<2048xi32, #tpu.memory_space<hbm>>) dst(%dma_wait3A_68 : memref<2048xi32, #tpu.memory_space<vmem>>)
    %scan3A = arith.constant 0 : i32
    %scan3A_72 = arith.constant 16 : i32
    %scan3A_73 = arith.addi %scan3A, %scan3A_72 : i32
    %scan3A_74 = arith.constant 1 : i32
    %scan3A_75:8 = scf.for %scan3A_151 = %scan3A to %scan3A_73 step %scan3A_74 iter_args(%scan3A_152 = %broadcast_in_dim3A_48, %scan3A_153 = %broadcast_in_dim3A_50, %scan3A_154 = %broadcast_in_dim3A_52, %scan3A_155 = %broadcast_in_dim3A_54, %scan3A_156 = %broadcast_in_dim3A_56, %scan3A_157 = %broadcast_in_dim3A_58, %scan3A_158 = %broadcast_in_dim3A_60, %scan3A_159 = %broadcast_in_dim3A_62) -> (vector<16xi32>, vector<16xi32>, vector<16xi32>, vector<16xi32>, vector<16xi32>, vector<16xi32>, vector<16xi32>, vector<16xi32>)  : i32 {
      %mul3A_160 = arith.constant 128 : i32
      %mul3A_161 = arith.muli %scan3A_151, %mul3A_160 : i32
      %add3A_162 = arith.constant 0 : i32
      %add3A_163 = arith.addi %add3A_162, %mul3A_161 : i32
      %add3A_164 = arith.constant 0 : i32
      %add3A_165 = arith.addi %add3A_163, %add3A_164 : i32
      %get3A = arith.index_cast %add3A_165 : i32 to index
      %get3A_166 = tpu.vector_load %arg5[%get3A] {strides = array<i32>} : memref<4096xi32, #tpu.memory_space<vmem>>, vector<16xi32>,
      %get3A_167 = vector.shape_cast %get3A_166 : vector<16xi32> to vector<16xi32>
      %add3A_168 = arith.addi %scan3A_152, %get3A_167 : vector<16xi32>
      %add3A_169 = arith.constant 16 : i32
      %add3A_170 = arith.addi %add3A_163, %add3A_169 : i32
      %get3A_171 = arith.index_cast %add3A_170 : i32 to index
      %get3A_172 = tpu.vector_load %arg5[%get3A_171] {strides = array<i32>} : memref<4096xi32, #tpu.memory_space<vmem>>, vector<16xi32>,
      %get3A_173 = vector.shape_cast %get3A_172 : vector<16xi32> to vector<16xi32>
      %add3A_174 = arith.addi %scan3A_153, %get3A_173 : vector<16xi32>
      %add3A_175 = arith.constant 32 : i32
      %add3A_176 = arith.addi %add3A_163, %add3A_175 : i32
      %get3A_177 = arith.index_cast %add3A_176 : i32 to index
      %get3A_178 = tpu.vector_load %arg5[%get3A_177] {strides = array<i32>} : memref<4096xi32, #tpu.memory_space<vmem>>, vector<16xi32>,
      %get3A_179 = vector.shape_cast %get3A_178 : vector<16xi32> to vector<16xi32>
      %add3A_180 = arith.addi %scan3A_154, %get3A_179 : vector<16xi32>
      %add3A_181 = arith.constant 48 : i32
      %add3A_182 = arith.addi %add3A_163, %add3A_181 : i32
      %get3A_183 = arith.index_cast %add3A_182 : i32 to index
      %get3A_184 = tpu.vector_load %arg5[%get3A_183] {strides = array<i32>} : memref<4096xi32, #tpu.memory_space<vmem>>, vector<16xi32>,
      %get3A_185 = vector.shape_cast %get3A_184 : vector<16xi32> to vector<16xi32>
      %add3A_186 = arith.addi %scan3A_155, %get3A_185 : vector<16xi32>
      %add3A_187 = arith.constant 64 : i32
      %add3A_188 = arith.addi %add3A_163, %add3A_187 : i32
      %get3A_189 = arith.index_cast %add3A_188 : i32 to index
      %get3A_190 = tpu.vector_load %arg5[%get3A_189] {strides = array<i32>} : memref<4096xi32, #tpu.memory_space<vmem>>, vector<16xi32>,
      %get3A_191 = vector.shape_cast %get3A_190 : vector<16xi32> to vector<16xi32>
      %add3A_192 = arith.addi %scan3A_156, %get3A_191 : vector<16xi32>
      %add3A_193 = arith.constant 80 : i32
      %add3A_194 = arith.addi %add3A_163, %add3A_193 : i32
      %get3A_195 = arith.index_cast %add3A_194 : i32 to index
      %get3A_196 = tpu.vector_load %arg5[%get3A_195] {strides = array<i32>} : memref<4096xi32, #tpu.memory_space<vmem>>, vector<16xi32>,
      %get3A_197 = vector.shape_cast %get3A_196 : vector<16xi32> to vector<16xi32>
      %add3A_198 = arith.addi %scan3A_157, %get3A_197 : vector<16xi32>
      %add3A_199 = arith.constant 96 : i32
      %add3A_200 = arith.addi %add3A_163, %add3A_199 : i32
      %get3A_201 = arith.index_cast %add3A_200 : i32 to index
      %get3A_202 = tpu.vector_load %arg5[%get3A_201] {strides = array<i32>} : memref<4096xi32, #tpu.memory_space<vmem>>, vector<16xi32>,
      %get3A_203 = vector.shape_cast %get3A_202 : vector<16xi32> to vector<16xi32>
      %add3A_204 = arith.addi %scan3A_158, %get3A_203 : vector<16xi32>
      %add3A_205 = arith.constant 112 : i32
      %add3A_206 = arith.addi %add3A_163, %add3A_205 : i32
      %get3A_207 = arith.index_cast %add3A_206 : i32 to index
      %get3A_208 = tpu.vector_load %arg5[%get3A_207] {strides = array<i32>} : memref<4096xi32, #tpu.memory_space<vmem>>, vector<16xi32>,
      %get3A_209 = vector.shape_cast %get3A_208 : vector<16xi32> to vector<16xi32>
      %add3A_210 = arith.addi %scan3A_159, %get3A_209 : vector<16xi32>
      scf.yield %add3A_168, %add3A_174, %add3A_180, %add3A_186, %add3A_192, %add3A_198, %add3A_204, %add3A_210 : vector<16xi32>, vector<16xi32>, vector<16xi32>, vector<16xi32>, vector<16xi32>, vector<16xi32>, vector<16xi32>, vector<16xi32>
    }
    %scan3A_76 = arith.constant 16 : i32
    %dma_wait3A_77 = arith.constant 2048 : i32
    %dma_wait3A_78 = tpu.memref_slice %arg5[%dma_wait3A_77] : memref<4096xi32, #tpu.memory_space<vmem>> -> memref<2048xi32, #tpu.memory_space<vmem>>
    %dma_wait3A_79 = arith.constant 2048 : i32
    %dma_wait3A_80 = tpu.memref_slice %arg3[%select_n3A, %dma_wait3A_79] : memref<4x4096xi32, #tpu.memory_space<hbm>> -> memref<1x2048xi32, #tpu.memory_space<hbm>>
    %dma_wait3A_81 = tpu.memref_squeeze %dma_wait3A_80 : memref<1x2048xi32, #tpu.memory_space<hbm>> -> memref<2048xi32, #tpu.memory_space<hbm>>
    %dma_wait3A_82 = arith.constant 2048 : i32
    %dma_wait3A_83 = tpu.memref_slice %arg5[%dma_wait3A_82] : memref<4096xi32, #tpu.memory_space<vmem>> -> memref<2048xi32, #tpu.memory_space<vmem>>
    %dma_wait3A_84 = arith.constant 2048 : i32
    %dma_wait3A_85 = tpu.memref_slice %arg3[%select_n3A, %dma_wait3A_84] : memref<4x4096xi32, #tpu.memory_space<hbm>> -> memref<1x2048xi32, #tpu.memory_space<hbm>>
    %dma_wait3A_86 = tpu.memref_squeeze %dma_wait3A_85 : memref<1x2048xi32, #tpu.memory_space<hbm>> -> memref<2048xi32, #tpu.memory_space<hbm>>
    tpu.wait_dma2 semaphore(%arg8 : memref<!tpu.dma_semaphore, #tpu.memory_space<semaphore_mem>>) src(%dma_wait3A_86 : memref<2048xi32, #tpu.memory_space<hbm>>) dst(%dma_wait3A_83 : memref<2048xi32, #tpu.memory_space<vmem>>)
    %scan3A_87 = arith.constant 0 : i32
    %scan3A_88 = arith.constant 16 : i32
    %scan3A_89 = arith.addi %scan3A_87, %scan3A_88 : i32
    %scan3A_90 = arith.constant 1 : i32
    %scan3A_91:8 = scf.for %scan3A_151 = %scan3A_87 to %scan3A_89 step %scan3A_90 iter_args(%scan3A_152 = %scan3A_75#0, %scan3A_153 = %scan3A_75#1, %scan3A_154 = %scan3A_75#2, %scan3A_155 = %scan3A_75#3, %scan3A_156 = %scan3A_75#4, %scan3A_157 = %scan3A_75#5, %scan3A_158 = %scan3A_75#6, %scan3A_159 = %scan3A_75#7) -> (vector<16xi32>, vector<16xi32>, vector<16xi32>, vector<16xi32>, vector<16xi32>, vector<16xi32>, vector<16xi32>, vector<16xi32>)  : i32 {
      %mul3A_160 = arith.constant 128 : i32
      %mul3A_161 = arith.muli %scan3A_151, %mul3A_160 : i32
      %add3A_162 = arith.constant 2048 : i32
      %add3A_163 = arith.addi %add3A_162, %mul3A_161 : i32
      %add3A_164 = arith.constant 0 : i32
      %add3A_165 = arith.addi %add3A_163, %add3A_164 : i32
      %get3A = arith.index_cast %add3A_165 : i32 to index
      %get3A_166 = tpu.vector_load %arg5[%get3A] {strides = array<i32>} : memref<4096xi32, #tpu.memory_space<vmem>>, vector<16xi32>,
      %get3A_167 = vector.shape_cast %get3A_166 : vector<16xi32> to vector<16xi32>
      %add3A_168 = arith.addi %scan3A_152, %get3A_167 : vector<16xi32>
      %add3A_169 = arith.constant 16 : i32
      %add3A_170 = arith.addi %add3A_163, %add3A_169 : i32
      %get3A_171 = arith.index_cast %add3A_170 : i32 to index
      %get3A_172 = tpu.vector_load %arg5[%get3A_171] {strides = array<i32>} : memref<4096xi32, #tpu.memory_space<vmem>>, vector<16xi32>,
      %get3A_173 = vector.shape_cast %get3A_172 : vector<16xi32> to vector<16xi32>
      %add3A_174 = arith.addi %scan3A_153, %get3A_173 : vector<16xi32>
      %add3A_175 = arith.constant 32 : i32
      %add3A_176 = arith.addi %add3A_163, %add3A_175 : i32
      %get3A_177 = arith.index_cast %add3A_176 : i32 to index
      %get3A_178 = tpu.vector_load %arg5[%get3A_177] {strides = array<i32>} : memref<4096xi32, #tpu.memory_space<vmem>>, vector<16xi32>,
      %get3A_179 = vector.shape_cast %get3A_178 : vector<16xi32> to vector<16xi32>
      %add3A_180 = arith.addi %scan3A_154, %get3A_179 : vector<16xi32>
      %add3A_181 = arith.constant 48 : i32
      %add3A_182 = arith.addi %add3A_163, %add3A_181 : i32
      %get3A_183 = arith.index_cast %add3A_182 : i32 to index
      %get3A_184 = tpu.vector_load %arg5[%get3A_183] {strides = array<i32>} : memref<4096xi32, #tpu.memory_space<vmem>>, vector<16xi32>,
      %get3A_185 = vector.shape_cast %get3A_184 : vector<16xi32> to vector<16xi32>
      %add3A_186 = arith.addi %scan3A_155, %get3A_185 : vector<16xi32>
      %add3A_187 = arith.constant 64 : i32
      %add3A_188 = arith.addi %add3A_163, %add3A_187 : i32
      %get3A_189 = arith.index_cast %add3A_188 : i32 to index
      %get3A_190 = tpu.vector_load %arg5[%get3A_189] {strides = array<i32>} : memref<4096xi32, #tpu.memory_space<vmem>>, vector<16xi32>,
      %get3A_191 = vector.shape_cast %get3A_190 : vector<16xi32> to vector<16xi32>
      %add3A_192 = arith.addi %scan3A_156, %get3A_191 : vector<16xi32>
      %add3A_193 = arith.constant 80 : i32
      %add3A_194 = arith.addi %add3A_163, %add3A_193 : i32
      %get3A_195 = arith.index_cast %add3A_194 : i32 to index
      %get3A_196 = tpu.vector_load %arg5[%get3A_195] {strides = array<i32>} : memref<4096xi32, #tpu.memory_space<vmem>>, vector<16xi32>,
      %get3A_197 = vector.shape_cast %get3A_196 : vector<16xi32> to vector<16xi32>
      %add3A_198 = arith.addi %scan3A_157, %get3A_197 : vector<16xi32>
      %add3A_199 = arith.constant 96 : i32
      %add3A_200 = arith.addi %add3A_163, %add3A_199 : i32
      %get3A_201 = arith.index_cast %add3A_200 : i32 to index
      %get3A_202 = tpu.vector_load %arg5[%get3A_201] {strides = array<i32>} : memref<4096xi32, #tpu.memory_space<vmem>>, vector<16xi32>,
      %get3A_203 = vector.shape_cast %get3A_202 : vector<16xi32> to vector<16xi32>
      %add3A_204 = arith.addi %scan3A_158, %get3A_203 : vector<16xi32>
      %add3A_205 = arith.constant 112 : i32
      %add3A_206 = arith.addi %add3A_163, %add3A_205 : i32
      %get3A_207 = arith.index_cast %add3A_206 : i32 to index
      %get3A_208 = tpu.vector_load %arg5[%get3A_207] {strides = array<i32>} : memref<4096xi32, #tpu.memory_space<vmem>>, vector<16xi32>,
      %get3A_209 = vector.shape_cast %get3A_208 : vector<16xi32> to vector<16xi32>
      %add3A_210 = arith.addi %scan3A_159, %get3A_209 : vector<16xi32>
      scf.yield %add3A_168, %add3A_174, %add3A_180, %add3A_186, %add3A_192, %add3A_198, %add3A_204, %add3A_210 : vector<16xi32>, vector<16xi32>, vector<16xi32>, vector<16xi32>, vector<16xi32>, vector<16xi32>, vector<16xi32>, vector<16xi32>
    }
    %scan3A_92 = arith.constant 16 : i32
    %add3A_93 = arith.addi %scan3A_91#0, %scan3A_91#1 : vector<16xi32>
    %add3A_94 = arith.addi %add3A_93, %scan3A_91#2 : vector<16xi32>
    %add3A_95 = arith.addi %add3A_94, %scan3A_91#3 : vector<16xi32>
    %add3A_96 = arith.addi %add3A_95, %scan3A_91#4 : vector<16xi32>
    %add3A_97 = arith.addi %add3A_96, %scan3A_91#5 : vector<16xi32>
    %add3A_98 = arith.addi %add3A_97, %scan3A_91#6 : vector<16xi32>
    %add3A_99 = arith.addi %add3A_98, %scan3A_91#7 : vector<16xi32>
    %slice3A = vector.extract_strided_slice %add3A_99 {offsets = [0], sizes = [1], strides = [1]} : vector<16xi32> to vector<1xi32>
    %squeeze3A = vector.extract %slice3A[0] : i32 from vector<1xi32>
    %slice3A_100 = vector.extract_strided_slice %add3A_99 {offsets = [1], sizes = [1], strides = [1]} : vector<16xi32> to vector<1xi32>
    %squeeze3A_101 = vector.extract %slice3A_100[0] : i32 from vector<1xi32>
    %add3A_102 = arith.addi %squeeze3A, %squeeze3A_101 : i32
    %slice3A_103 = vector.extract_strided_slice %add3A_99 {offsets = [2], sizes = [1], strides = [1]} : vector<16xi32> to vector<1xi32>
    %squeeze3A_104 = vector.extract %slice3A_103[0] : i32 from vector<1xi32>
    %add3A_105 = arith.addi %add3A_102, %squeeze3A_104 : i32
    %slice3A_106 = vector.extract_strided_slice %add3A_99 {offsets = [3], sizes = [1], strides = [1]} : vector<16xi32> to vector<1xi32>
    %squeeze3A_107 = vector.extract %slice3A_106[0] : i32 from vector<1xi32>
    %add3A_108 = arith.addi %add3A_105, %squeeze3A_107 : i32
    %slice3A_109 = vector.extract_strided_slice %add3A_99 {offsets = [4], sizes = [1], strides = [1]} : vector<16xi32> to vector<1xi32>
    %squeeze3A_110 = vector.extract %slice3A_109[0] : i32 from vector<1xi32>
    %add3A_111 = arith.addi %add3A_108, %squeeze3A_110 : i32
    %slice3A_112 = vector.extract_strided_slice %add3A_99 {offsets = [5], sizes = [1], strides = [1]} : vector<16xi32> to vector<1xi32>
    %squeeze3A_113 = vector.extract %slice3A_112[0] : i32 from vector<1xi32>
    %add3A_114 = arith.addi %add3A_111, %squeeze3A_113 : i32
    %slice3A_115 = vector.extract_strided_slice %add3A_99 {offsets = [6], sizes = [1], strides = [1]} : vector<16xi32> to vector<1xi32>
    %squeeze3A_116 = vector.extract %slice3A_115[0] : i32 from vector<1xi32>
    %add3A_117 = arith.addi %add3A_114, %squeeze3A_116 : i32
    %slice3A_118 = vector.extract_strided_slice %add3A_99 {offsets = [7], sizes = [1], strides = [1]} : vector<16xi32> to vector<1xi32>
    %squeeze3A_119 = vector.extract %slice3A_118[0] : i32 from vector<1xi32>
    %add3A_120 = arith.addi %add3A_117, %squeeze3A_119 : i32
    %slice3A_121 = vector.extract_strided_slice %add3A_99 {offsets = [8], sizes = [1], strides = [1]} : vector<16xi32> to vector<1xi32>
    %squeeze3A_122 = vector.extract %slice3A_121[0] : i32 from vector<1xi32>
    %add3A_123 = arith.addi %add3A_120, %squeeze3A_122 : i32
    %slice3A_124 = vector.extract_strided_slice %add3A_99 {offsets = [9], sizes = [1], strides = [1]} : vector<16xi32> to vector<1xi32>
    %squeeze3A_125 = vector.extract %slice3A_124[0] : i32 from vector<1xi32>
    %add3A_126 = arith.addi %add3A_123, %squeeze3A_125 : i32
    %slice3A_127 = vector.extract_strided_slice %add3A_99 {offsets = [10], sizes = [1], strides = [1]} : vector<16xi32> to vector<1xi32>
    %squeeze3A_128 = vector.extract %slice3A_127[0] : i32 from vector<1xi32>
    %add3A_129 = arith.addi %add3A_126, %squeeze3A_128 : i32
    %slice3A_130 = vector.extract_strided_slice %add3A_99 {offsets = [11], sizes = [1], strides = [1]} : vector<16xi32> to vector<1xi32>
    %squeeze3A_131 = vector.extract %slice3A_130[0] : i32 from vector<1xi32>
    %add3A_132 = arith.addi %add3A_129, %squeeze3A_131 : i32
    %slice3A_133 = vector.extract_strided_slice %add3A_99 {offsets = [12], sizes = [1], strides = [1]} : vector<16xi32> to vector<1xi32>
    %squeeze3A_134 = vector.extract %slice3A_133[0] : i32 from vector<1xi32>
    %add3A_135 = arith.addi %add3A_132, %squeeze3A_134 : i32
    %slice3A_136 = vector.extract_strided_slice %add3A_99 {offsets = [13], sizes = [1], strides = [1]} : vector<16xi32> to vector<1xi32>
    %squeeze3A_137 = vector.extract %slice3A_136[0] : i32 from vector<1xi32>
    %add3A_138 = arith.addi %add3A_135, %squeeze3A_137 : i32
    %slice3A_139 = vector.extract_strided_slice %add3A_99 {offsets = [14], sizes = [1], strides = [1]} : vector<16xi32> to vector<1xi32>
    %squeeze3A_140 = vector.extract %slice3A_139[0] : i32 from vector<1xi32>
    %add3A_141 = arith.addi %add3A_138, %squeeze3A_140 : i32
    %slice3A_142 = vector.extract_strided_slice %add3A_99 {offsets = [15], sizes = [1], strides = [1]} : vector<16xi32> to vector<1xi32>
    %squeeze3A_143 = vector.extract %slice3A_142[0] : i32 from vector<1xi32>
    %add3A_144 = arith.addi %add3A_141, %squeeze3A_143 : i32
    %mul3A = arith.constant 4096 : i32
    %mul3A_145 = arith.muli %select_n3A, %mul3A : i32
    %add3A_146 = arith.addi %mul3A_145, %add3A_144 : i32
    %sub3A_147 = arith.constant 1 : i32
    %sub3A_148 = arith.subi %add3A_146, %sub3A_147 : i32
    %mul3A_149 = arith.constant 1024 : i32
    %mul3A_150 = arith.muli %select_n3A_28, %mul3A_149 : i32
    "tpu.region"() ({
      %run_scoped3A = tpu.sem_alloc : memref<!tpu.dma_semaphore, #tpu.memory_space<semaphore_mem>>
      %dma_start3A_151 = tpu.memref_slice %arg2[%sub3A_148, %mul3A_150] : memref<16384x4096xf32, #tpu.memory_space<hbm>> -> memref<1x1024xf32, #tpu.memory_space<hbm>>
      %dma_start3A_152 = tpu.memref_squeeze %dma_start3A_151 : memref<1x1024xf32, #tpu.memory_space<hbm>> -> memref<1024xf32, #tpu.memory_space<hbm>>
      %dma_start3A_153 = tpu.memref_slice %arg2[%sub3A_148, %mul3A_150] : memref<16384x4096xf32, #tpu.memory_space<hbm>> -> memref<1x1024xf32, #tpu.memory_space<hbm>>
      %dma_start3A_154 = tpu.memref_squeeze %dma_start3A_153 : memref<1x1024xf32, #tpu.memory_space<hbm>> -> memref<1024xf32, #tpu.memory_space<hbm>>
      tpu.enqueue_dma source(%dma_start3A_154 : memref<1024xf32, #tpu.memory_space<hbm>>) target(%arg6 : memref<1024xf32, #tpu.memory_space<vmem>>) target_semaphore(%run_scoped3A : memref<!tpu.dma_semaphore, #tpu.memory_space<semaphore_mem>>)
      %dma_wait3A_155 = tpu.memref_slice %arg2[%sub3A_148, %mul3A_150] : memref<16384x4096xf32, #tpu.memory_space<hbm>> -> memref<1x1024xf32, #tpu.memory_space<hbm>>
      %dma_wait3A_156 = tpu.memref_squeeze %dma_wait3A_155 : memref<1x1024xf32, #tpu.memory_space<hbm>> -> memref<1024xf32, #tpu.memory_space<hbm>>
      %dma_wait3A_157 = tpu.memref_slice %arg2[%sub3A_148, %mul3A_150] : memref<16384x4096xf32, #tpu.memory_space<hbm>> -> memref<1x1024xf32, #tpu.memory_space<hbm>>
      %dma_wait3A_158 = tpu.memref_squeeze %dma_wait3A_157 : memref<1x1024xf32, #tpu.memory_space<hbm>> -> memref<1024xf32, #tpu.memory_space<hbm>>
      tpu.wait_dma2 semaphore(%run_scoped3A : memref<!tpu.dma_semaphore, #tpu.memory_space<semaphore_mem>>) src(%dma_wait3A_158 : memref<1024xf32, #tpu.memory_space<hbm>>) dst(%arg6 : memref<1024xf32, #tpu.memory_space<vmem>>)
      tpu.yield
    }) : () -> ()
    "tpu.region"() ({
      %run_scoped3A = tpu.sem_alloc : memref<!tpu.dma_semaphore, #tpu.memory_space<semaphore_mem>>
      %dma_start3A_151 = tpu.memref_slice %arg4[%select_n3A, %mul3A_150] : memref<4x4096xf32, #tpu.memory_space<hbm>> -> memref<1x1024xf32, #tpu.memory_space<hbm>>
      %dma_start3A_152 = tpu.memref_squeeze %dma_start3A_151 : memref<1x1024xf32, #tpu.memory_space<hbm>> -> memref<1024xf32, #tpu.memory_space<hbm>>
      %dma_start3A_153 = tpu.memref_slice %arg4[%select_n3A, %mul3A_150] : memref<4x4096xf32, #tpu.memory_space<hbm>> -> memref<1x1024xf32, #tpu.memory_space<hbm>>
      %dma_start3A_154 = tpu.memref_squeeze %dma_start3A_153 : memref<1x1024xf32, #tpu.memory_space<hbm>> -> memref<1024xf32, #tpu.memory_space<hbm>>
      tpu.enqueue_dma source(%arg6 : memref<1024xf32, #tpu.memory_space<vmem>>) target(%dma_start3A_154 : memref<1024xf32, #tpu.memory_space<hbm>>) target_semaphore(%run_scoped3A : memref<!tpu.dma_semaphore, #tpu.memory_space<semaphore_mem>>)
      %dma_wait3A_155 = tpu.memref_slice %arg4[%select_n3A, %mul3A_150] : memref<4x4096xf32, #tpu.memory_space<hbm>> -> memref<1x1024xf32, #tpu.memory_space<hbm>>
      %dma_wait3A_156 = tpu.memref_squeeze %dma_wait3A_155 : memref<1x1024xf32, #tpu.memory_space<hbm>> -> memref<1024xf32, #tpu.memory_space<hbm>>
      %dma_wait3A_157 = tpu.memref_slice %arg4[%select_n3A, %mul3A_150] : memref<4x4096xf32, #tpu.memory_space<hbm>> -> memref<1x1024xf32, #tpu.memory_space<hbm>>
      %dma_wait3A_158 = tpu.memref_squeeze %dma_wait3A_157 : memref<1x1024xf32, #tpu.memory_space<hbm>> -> memref<1024xf32, #tpu.memory_space<hbm>>
      tpu.wait_dma2 semaphore(%run_scoped3A : memref<!tpu.dma_semaphore, #tpu.memory_space<semaphore_mem>>) src(%arg6 : memref<1024xf32, #tpu.memory_space<vmem>>) dst(%dma_wait3A_158 : memref<1024xf32, #tpu.memory_space<hbm>>)
      tpu.yield
    }) : () -> ()
    return
  }
}

</mosaic_0001>

<sc_bundles>
// kernel: kernel.3.cloned.1.call-start
scs
__scs_entry_jumppad:
0x0: {  	(pc) =	sbr.rel $0x88, $3  }
0x1: {  	(tag) =	ssettag $0x0;
	lr =	simm.s32 $0x1  }
0x2: {  	[smem:$0x3F9F] =	sst lr;
	_ =	strace $0xD0000000  }
0x3: {  	_ = 	snop  }
0x4: {  	_ = 	snop  }
0x5: {  	_ = 	snop  }
0x6: {  	_ = 	snop  }
0x7: {  	_ = 	snop  }
__scs_overlays_trampoline_lowered:
0x8: {  	[smem:$0x3FAE] =	sst s0  }
0x9: {  	[smem:$0x3FAF] =	sst s1  }
0xa: {  	[smem:$0x3FB0] =	sst s2  }
0xb: {  	[smem:$0x3FB1] =	sst s3  }
0xc: {  	[smem:$0x3FB2] =	sst s4  }
0xd: {  	[smem:$0x3FB3] =	sst s5  }
0xe: {  	[smem:$0x3FB4] =	sst s6  }
0xf: {  	[smem:$0x3FB5] =	sst s7  }
0x10: {  	[smem:$0x3FB6] =	sst s8  }
0x11: {  	[smem:$0x3FB7] =	sst s9;
	s0 =	simm.s32 @!p0 $0x0  }
0x12: {  	s1 =	sld [smem:$0x3F9D];
	s0 =	simm.s32 @p0 $0x1  }
0x13: {  	[smem:$0x3FB8] =	sst s0;
	s0 =	simm.s32 @!p1 $0x0  }
0x14: {  	s2 =	sld [smem:$0x3F9C];
	s0 =	simm.s32 @p1 $0x1  }
0x15: {  	[smem:$0x3FB9] =	sst s0;
	s0 =	simm.s32 @!p2 $0x0  }
0x16: {  	s3 =	sld [smem:$0x3FDB];
	s0 =	simm.s32 @p2 $0x1  }
0x17: {  	s4 =	simm.s32 $0x1BF5;
	[smem:$0x3FBB] =	sst s0  }
0x18: {  	s0 =	sld [smem:$0x3F9E];
	_ =	swait.ge [sflag:s4], $0x0  }
0x19: {  	s7 =	sld [smem:$0x3F9F]  }
0x1a: {  	s8 =	sadd.s32 $0xFFFFE003, lr  }
0x1b: {  	s9 =	sadd.s32 $0xFFFFFEF7, lr;
	s5 =	simm.s32 $0xFFFFFFFF;
	p2 =	slt.u32 s8, $0xFFFFF086  }
0x1c: {  	p1 =	slt.u32 s9, $0xF7A;
	s5 =	simm.s32 @!p2 $0x0  }
0x1d: {  	s5 =	simm.s32 @p1 $0x1;
	p0 =	seq.s32 s7, s2  }
0x1e: {  	s7 =	smul.u32 @!p0 $0xF7A, s2;
	p2 =	seq.s32 @!p0 s5, $0x0  }
0x1f: {  	s9 =	smul.u32 $0xF7A, s1;
	s8 =	simm.s32 @!p0 $0x1BF5;
	p2 =	por !p2, p0  }
0x20: {  	[sflag:s8] =	ssyncset.s32 @!p0 $0xFFFFF086;
	s6 =	sadd.s32 @!p0 s3, s7;
	s7 =	simm.s32 @!p0 $0x108  }
0x21: {  	s3 =	sadd.s32 s3, s9;
	s6 =	sadd.s32 @!p0 $0x88, s6;
	s7 =	simm.s32 @p2 $0x1082  }
0x22: {  	[simem:s7], [sflag:s8] =	dma.local @!p0 [hbm:s6], $0xF7A  }
0x23: {  	s9 =	sor.u32 $0xD0000000, s2;
	s6 =	simm.s32 $0x108;
	_ =	swait.ge @!p0 [sflag:s8], $0x0  }
0x24: {  	s3 =	sadd.s32 $0x88, s3;
	s6 =	simm.s32 @!p1 $0x1082;
	[sflag:s4] =	ssyncset.s32 $0xFFFFF086  }
0x25: {  	[simem:s6], [sflag:s4] =	dma.local [hbm:s3], $0xF7A  }
0x26: {  	[smem:$0x3F9F] =	sst s1;
	(tag) =	ssettag s2;
	_ =	strace s9  }
0x27: {  	s1 =	sld [smem:$0x3FAF]  }
0x28: {  	s2 =	sld [smem:$0x3FB0]  }
0x29: {  	s4 =	sld [smem:$0x3FB2]  }
0x2a: {  	p0 =	seq.s32 s5, $0x0;
	s5 =	sld [smem:$0x3FB3]  }
0x2b: {  	s6 =	sld [smem:$0x3FB4]  }
0x2c: {  	s7 =	sld [smem:$0x3FB5]  }
0x2d: {  	s3 =	simm.s32 $0x108;
	s8 =	sld [smem:$0x3FB6]  }
0x2e: {  	s3 =	simm.s32 @!p0 $0x1082;
	s9 =	sld [smem:$0x3FB7]  }
0x2f: {  	lr =	sadd.s32 s0, s3;
	s0 =	sld [smem:$0x3FAE]  }
0x30: {  	s3 =	sld [smem:$0x3FB1]  }
0x31: {  	[smem:$0x3FBA] =	sst s10  }
0x32: {  	s10 =	sld [smem:$0x3FB8];
	_ =	sdelay $0x3  }
0x33: {  	p0 =	seq.s32 s10, $0x1;
	s10 =	sld [smem:$0x3FBA];
	_ =	sdelay $0x3  }
0x34: {  	[smem:$0x3FBA] =	sst s10  }
0x35: {  	s10 =	sld [smem:$0x3FB9];
	_ =	sdelay $0x3  }
0x36: {  	p1 =	seq.s32 s10, $0x1;
	s10 =	sld [smem:$0x3FBA];
	_ =	sdelay $0x3  }
0x37: {  	[smem:$0x3FBA] =	sst s10  }
0x38: {  	s10 =	sld [smem:$0x3FBB]  }
0x39: {  	_ = 	snop;
	(pc) =	sbr.ind lr, $3  }
0x3a: {  	_ = 	snop  }
0x3b: {  	_ = 	snop  }
0x3c: {  	p2 =	seq.s32 s10, $0x1;
	s10 =	sld [smem:$0x3FBA]  }
0x3d: {  	_ =	shalt  }
0x3e: {  	_ =	shalt  }
0x3f: {  	_ =	shalt  }
0x40: {  	_ =	shalt  }
0x41: {  	_ =	shalt  }
0x42: {  	_ =	shalt  }
0x43: {  	_ =	shalt  }
0x44: {  	_ =	shalt  }
0x45: {  	_ =	shalt  }
0x46: {  	_ =	shalt  }
0x47: {  	_ =	shalt  }
0x48: {  	_ =	shalt  }
0x49: {  	_ =	shalt  }
0x4a: {  	_ =	shalt  }
0x4b: {  	_ =	shalt  }
0x4c: {  	_ =	shalt  }
0x4d: {  	_ =	shalt  }
0x4e: {  	_ =	shalt  }
0x4f: {  	_ =	shalt  }
0x50: {  	_ =	shalt  }
0x51: {  	_ =	shalt  }
0x52: {  	_ =	shalt  }
0x53: {  	_ =	shalt  }
0x54: {  	_ =	shalt  }
0x55: {  	_ =	shalt  }
0x56: {  	_ =	shalt  }
0x57: {  	_ =	shalt  }
0x58: {  	_ =	shalt  }
0x59: {  	_ =	shalt  }
0x5a: {  	_ =	shalt  }
0x5b: {  	_ =	shalt  }
0x5c: {  	_ =	shalt  }
0x5d: {  	_ =	shalt  }
0x5e: {  	_ =	shalt  }
0x5f: {  	_ =	shalt  }
0x60: {  	_ =	shalt  }
0x61: {  	_ =	shalt  }
0x62: {  	_ =	shalt  }
0x63: {  	_ =	shalt  }
0x64: {  	_ =	shalt  }
0x65: {  	_ =	shalt  }
0x66: {  	_ =	shalt  }
0x67: {  	_ =	shalt  }
0x68: {  	_ =	shalt  }
0x69: {  	_ =	shalt  }
0x6a: {  	_ =	shalt  }
0x6b: {  	_ =	shalt  }
0x6c: {  	_ =	shalt  }
0x6d: {  	_ =	shalt  }
0x6e: {  	_ =	shalt  }
0x6f: {  	_ =	shalt  }
0x70: {  	_ =	shalt  }
0x71: {  	_ =	shalt  }
0x72: {  	_ =	shalt  }
0x73: {  	_ =	shalt  }
0x74: {  	_ =	shalt  }
0x75: {  	_ =	shalt  }
0x76: {  	_ =	shalt  }
0x77: {  	_ =	shalt  }
0x78: {  	_ =	shalt  }
0x79: {  	_ =	shalt  }
0x7a: {  	_ =	shalt  }
0x7b: {  	_ =	shalt  }
0x7c: {  	_ =	shalt  }
0x7d: {  	_ =	shalt  }
0x7e: {  	_ =	shalt  }
0x7f: {  	_ =	shalt  }
0x80: {  	_ =	shalt  }
0x81: {  	_ =	shalt  }
0x82: {  	_ =	shalt  }
0x83: {  	_ =	shalt  }
0x84: {  	_ =	shalt  }
0x85: {  	_ =	shalt  }
0x86: {  	_ =	shalt  }
0x87: {  	_ =	shalt  }
.Lfunc_end0:
.L_simem_size_0:
called_computation_lowered:
.L_overlay_start_0:
0x88: {  	s0 =	sld [smem:$0x3FD9]  }
0x89: {  	s1 =	sld [smem:$0x3FFE];
	_ =	sdelay $0x3  }
0x8a: {  	s0 =	sadd.s32 s1, s0  }
0x8b: {  	[smem:$0x3FC6] =	sst s0  }
0x8c: {  	_ = 	snop  }
0x8d: {  	s0 =	sld [smem:$0x3FC9]  }
0x8e: {  	s17 =	sld [smem:$0x3FC8]  }
0x8f: {  	s2 =	sld [smem:$0x3FD0];
	(tm) =	ssettm $0x1  }
0x90: {  	s3 =	sld [smem:$0x3FFB];
	_ =	sdelay $0x3  }
0x91: {  	_ =	strace s3  }
0x92: {  	s3 =	sld [smem:$0x3FFC];
	_ =	sdelay $0x3  }
0x93: {  	_ =	strace s3  }
0x94: {  	s3 =	sld [smem:$0x3FFD];
	_ =	sdelay $0x3  }
0x95: {  	_ =	strace s3  }
0x96: {  	_ =	strace $0x8FFFFFFF  }
0x97: {  	s18 =	sld [smem:$0x3FDB];
	_ =	sdelay $0x1  }
0x98: {  	s4 =	simm.s32 $_scs_section_size  }
0x99: {  	s5 =	simm.s32 $_size__tile_overlayer_lowered;
	s6 =	simm.s32 $_tile_overlayer_lowered  }
0x9a: {  	s21 =	simm.s32 $0x1BFF;
	s20 =	sshll.u32 s6, $0x1;
	s3 =	sadd.s32 s4, s18  }
0x9b: {  	s7 =	simm.s32 $0x0;
	s19 =	sshll.u32 s5, $0x1;
	s5 =	sadd.s32 s20, s3  }
0x9c: {  	[timem:s7], [sflag:s21] =	dma.local [hbm:s5], s19  }
0x9d: {  	_ =	swait.ge [sflag:s21], s19  }
0x9e: {  	s4 =	ssub.s32 $0x0, s19;
	[sflag:s21] =	ssyncset.done $0x0  }
0x9f: {  	[sflag:s21] =	ssyncadd.s32 s4;
	_ =	sdelay $0x1  }
0xa0: {  	s22 =	simm.s32 $0x1B8B  }
0xa1: {  	_ =	swait.ge [sflag:s22], $0x1  }
0xa2: {  	[sflag:s22] =	ssyncset.done $0x0  }
0xa3: {  	s23 =	simm.s32 $0x1B8E;
	[sflag:s22] =	ssyncadd.s32 $0xFFFFFFFF  }
0xa4: {  	s24 =	simm.s32 $execute0_lowered;
	[smem:$0x3FD2] =	sst s23  }
0xa5: {  	s4 =	sshll.u32 s24, $0x1;
	_ =	strace $0x80000046;
	[dreg:$0x1] =	wrdreg $0xFFFFFFFF  }
0xa6: {  	s25 =	simm.s32 $_size_execute0_lowered;
	s3 =	sadd.s32 s3, s4;
	[dreg:$0x0] =	wrdreg $0x0  }
0xa7: {  	s4 =	sshll.u32 s25, $0x1;
	[dreg:$0x2] =	wrdreg s3  }
0xa8: {  	[dreg:$0x3] =	wrdreg s4  }
0xa9: {  	[dreg:$0x4] =	wrdreg $0xC0  }
0xaa: {  	_ =	task [dreg:s7], $0x5FFFF  }
0xab: {  	[dreg:$0x1] =	wrdreg $0xFFFFFFFF  }
0xac: {  	[dreg:$0x0] =	wrdreg $0x60  }
0xad: {  	[dreg:$0x2] =	wrdreg s0  }
0xae: {  	[dreg:$0x3] =	wrdreg s17  }
0xaf: {  	[dreg:$0x4] =	wrdreg s2  }
0xb0: {  	[dreg:$0x5] =	wrdreg $0x9  }
0xb1: {  	_ =	task.clear_ibuf [dreg:s7], $0x6FFFF;
	_ =	strace $0x90000046  }
0xb2: {  	s26 =	simm.s32 $0x9;
	_ =	strace $0x80000048  }
0xb3: {  	_ =	swait.ge [sflag:s26], $0x1  }
0xb4: {  	[sflag:s26] =	ssyncadd.s32 $0xFFFFFFFF  }
0xb5: {  	_ =	strace $0x90000048  }
0xb6: {  	_ =	sfence  }
0xb7: {  	s28 =	sld [smem:$0x0];
	_ =	sdelay $0x1  }
0xb8: {  	s29 =	srdreg.scid  }
0xb9: {  	s30 =	sshll.u32 s29, $0xD;
	s31 =	sshrl.u32 s29, $0x2  }
0xba: {  	s1 =	sand.u32 $0x1, s29;
	s2 =	sand.u32 $0x4000, s30;
	s0 =	sadd.s32 s31, s28  }
0xbb: {  	s1 =	sor.u32 s2, s1;
	s0 =	sshll.u32 s0, $0x11  }
0xbc: {  	s0 =	sor.u32 s0, s1  }
0xbd: {  	s0 =	sadd.s32 $0x8F2B, s0  }
0xbe: {  	[sflag:s0] =	ssyncadd.remote.s32 $0x1  }
0xbf: {  	_ =	sfence.sel $0xFFFF  }
0xc0: {  	[dreg:$0x0] =	wrdreg $0xFFFFFFFF;
	(pc) =	sbr.abs _section_cstart, $3  }
0xc1: {  	[dreg:$0x1] =	wrdreg $0xFFFFFFFF  }
0xc2: {  	_ =	task.clear_ibuf [dreg:s7], $0x2FFFF;
	_ =	strace $0x9FFFFFFF  }
0xc3: {  	(tm) =	ssettm $0x7FFFFFFF  }
tec
execute0_lowered:
.L_overlay_start_1:
0x0: {  	(tag) =	ssettag $0x1  }
0x1: {  	s4 =	rddreg [dreg:$0x0]  }
0x2: {  	s6 =	rddreg [dreg:$0x1]  }
0x3: {  	s2 =	rddreg [dreg:$0x2];
	s1 =	stileid.u32  }
0x4: {  	s0 =	rddreg [dreg:$0x3];
	s7 =	simm.s32 $0x0;
	s5 =	sshrl.u32 s1, $0x2  }
0x5: {  	s8 =	simm.s32 $0x80;
	[smem:$0x7FF] =	sst s7;
	s3 =	sshll.u32 s5, $0x4  }
0x6: {  	s9 =	simm.s32 $0x200;
	_ =	strace $0x80000047;
	s6 =	sadd.s32 s6, s3  }
0x7: {  	[tilespmem:s7], [sflag:$0x1] =	stream.strided.gather [hbm4b:s6+s8], $0x800, s9, s8, $0x38;
	[tilespmem:$0x1400] =	vst v63  }
0x8: {  	s29 =	simm.s32 $0x800;
	s30 =	simm.s32 $0x1;
	s6 =	sadd.s32 $0x400, s6  }
0x9: {  	[tilespmem:s29], [sflag:$0x2] =	stream.strided.gather [hbm4b:s6+s8], $0x800, s9, s8, $0x38;
	[tilespmem:$0x1400] =	vst v63  }
0xa: {  	_ =	swait.ge [sflag:s30], $0x800  }
0xb: {  	[sflag:s30] =	ssyncset.done $0x0  }
0xc: {  	s31 =	simm.s32 $0x0;
	[sflag:s30] =	ssyncadd.s32 $0xFFFFF800  }
0xd: {  	v0 =	vld [tilespmem:s31+$0x70]  }
0xe: {  	v1 =	vld [tilespmem:s31+$0x0]  }
0xf: {  	v2 =	vld [tilespmem:s31+$0x10]  }
0x10: {  	v5 =	vld [tilespmem:s31+$0x20]  }
0x11: {  	v6 =	vld [tilespmem:s31+$0x30]  }
0x12: {  	v3 =	vimm.s32 $0x0;
	v4 =	vimm.s32 $0x0;
	v7 =	vld [tilespmem:s31+$0x40]  }
0x13: {  	v9 =	vimm.s32 $0x0;
	v10 =	vimm.s32 $0x0;
	v8 =	vimm.s32 $0x0;
	v11 =	vld [tilespmem:s31+$0x50]  }
0x14: {  	s7 =	simm.s32 $0x400;
	s6 =	simm.s32 $0x80;
	v12 =	vld [tilespmem:s31+$0x60];
	v0 =	vadd.s32 v3, v0;
	v1 =	vadd.s32 v3, v1;
	v2 =	vadd.s32 v3, v2  }
.LBB2_1:
0x15: {  	p0 =	sne.s32 s7, $0x1E00;
	v13 =	vld [tilespmem:s6+$0x70];
	v3 =	vadd.s32 v3, v5  }
0x16: {  	v14 =	vld [tilespmem:s6+$0x0];
	v4 =	vadd.s32 v4, v6  }
0x17: {  	v15 =	vld [tilespmem:s6+$0x10];
	v9 =	vadd.s32 v9, v7  }
.Ltmp0:
0x18: {  	v5 =	vld [tilespmem:s6+$0x20];
	v10 =	vadd.s32 v10, v11;
	(pc) =	sbr.rel @p0 .LBB2_1-.Ltmp0, $4  }
0x19: {  	v6 =	vld [tilespmem:s6+$0x30];
	v8 =	vadd.s32 v8, v12  }
0x1a: {  	v7 =	vld [tilespmem:s6+$0x40];
	v0 =	vadd.s32 v0, v13  }
0x1b: {  	v1 =	vadd.s32 v1, v14;
	v11 =	vld [tilespmem:s6+$0x50]  }
0x1c: {  	v2 =	vadd.s32 v2, v15;
	v12 =	vld [tilespmem:s6+$0x60];
	s6 =	sshra.s32 s7, $0x2;
	s7 =	sadd.s32 $0x200, s7  }
0x1d: {  	v13 =	vld [tilespmem:s6+$0x70]  }
0x1e: {  	v14 =	vld [tilespmem:s6+$0x0]  }
0x1f: {  	v15 =	vld [tilespmem:s6+$0x10]  }
0x20: {  	v16 =	vld [tilespmem:s6+$0x20]  }
0x21: {  	v17 =	vld [tilespmem:s6+$0x30]  }
0x22: {  	v18 =	vld [tilespmem:s6+$0x40]  }
0x23: {  	v19 =	vld [tilespmem:s6+$0x50];
	s31 =	simm.s32 $0x2  }
0x24: {  	v20 =	vld [tilespmem:s6+$0x60];
	_ =	swait.ge [sflag:s31], $0x800  }
0x25: {  	[sflag:s31] =	ssyncset.done $0x0  }
0x26: {  	s8 =	simm.s32 $0x0;
	[sflag:s31] =	ssyncadd.s32 $0xFFFFF800  }
0x27: {  	v21 =	vld [tilespmem:s8+$0x870]  }
0x28: {  	v22 =	vld [tilespmem:s8+$0x800]  }
0x29: {  	v3 =	vadd.s32 v3, v5;
	v23 =	vld [tilespmem:s8+$0x810]  }
0x2a: {  	v4 =	vadd.s32 v4, v6;
	v9 =	vadd.s32 v9, v7;
	v10 =	vadd.s32 v10, v11;
	v6 =	vld [tilespmem:s8+$0x820]  }
0x2b: {  	v11 =	vadd.s32 v8, v12;
	v7 =	vld [tilespmem:s8+$0x830];
	v0 =	vadd.s32 v0, v13;
	v12 =	vadd.s32 v1, v14  }
0x2c: {  	v8 =	vld [tilespmem:s8+$0x840];
	v13 =	vadd.s32 v2, v15;
	v5 =	vadd.s32 v3, v16;
	v4 =	vadd.s32 v4, v17  }
0x2d: {  	v3 =	vadd.s32 v9, v18;
	v2 =	vadd.s32 v10, v19;
	v1 =	vadd.s32 v11, v20;
	v9 =	vld [tilespmem:s8+$0x850]  }
0x2e: {  	s6 =	simm.s32 $0x80;
	s7 =	simm.s32 $0x400;
	v10 =	vld [tilespmem:s8+$0x860];
	v0 =	vadd.s32 v0, v21;
	v11 =	vadd.s32 v12, v22;
	v12 =	vadd.s32 v13, v23  }
.LBB2_3:
0x2f: {  	p0 =	sne.s32 s7, $0x1E00;
	v13 =	vld [tilespmem:s6+$0x870];
	v5 =	vadd.s32 v5, v6  }
0x30: {  	v14 =	vld [tilespmem:s6+$0x800];
	v4 =	vadd.s32 v4, v7  }
0x31: {  	v15 =	vld [tilespmem:s6+$0x810];
	v3 =	vadd.s32 v3, v8  }
.Ltmp1:
0x32: {  	v6 =	vld [tilespmem:s6+$0x820];
	v2 =	vadd.s32 v2, v9;
	(pc) =	sbr.rel @p0 .LBB2_3-.Ltmp1, $4  }
0x33: {  	v7 =	vld [tilespmem:s6+$0x830];
	v1 =	vadd.s32 v1, v10  }
0x34: {  	v8 =	vld [tilespmem:s6+$0x840];
	v0 =	vadd.s32 v0, v13  }
0x35: {  	v11 =	vadd.s32 v11, v14;
	v9 =	vld [tilespmem:s6+$0x850]  }
0x36: {  	v12 =	vadd.s32 v12, v15;
	v10 =	vld [tilespmem:s6+$0x860];
	s6 =	sshra.s32 s7, $0x2;
	s7 =	sadd.s32 $0x200, s7  }
0x37: {  	v13 =	vld [tilespmem:s6+$0x800]  }
0x38: {  	v14 =	vld [tilespmem:s6+$0x810]  }
0x39: {  	v15 =	vld [tilespmem:s6+$0x820]  }
0x3a: {  	v16 =	vld [tilespmem:s6+$0x830]  }
0x3b: {  	v17 =	vld [tilespmem:s6+$0x840]  }
0x3c: {  	v18 =	vld [tilespmem:s6+$0x850]  }
0x3d: {  	v5 =	vadd.s32 v5, v6;
	v62 =	vld [tilespmem:s6+$0x860];
	v60 =	vadd.s32 v11, v13;
	v61 =	vadd.s32 v12, v14  }
0x3e: {  	v63 =	vld [tilespmem:s6+$0x870];
	v4 =	vadd.s32 v4, v7;
	v5 =	vadd.s32 v5, v15;
	v6 =	vadd.s32 v60, v61  }
0x3f: {  	v3 =	vadd.s32 v3, v8;
	v4 =	vadd.s32 v4, v16;
	v5 =	vadd.s32 v5, v6  }
0x40: {  	v2 =	vadd.s32 v2, v9;
	v3 =	vadd.s32 v3, v17;
	v4 =	vadd.s32 v4, v5  }
0x41: {  	v1 =	vadd.s32 v1, v10;
	v2 =	vadd.s32 v2, v18;
	v3 =	vadd.s32 v3, v4  }
0x42: {  	v1 =	vadd.s32 v1, v62;
	v2 =	vadd.s32 v2, v3  }
0x43: {  	v0 =	vadd.s32 v0, v63;
	v1 =	vadd.s32 v1, v2  }
0x44: {  	v0 =	vadd.s32 v0, v1  }
0x45: {  	(v2sf) =	vpush v0, $0x1  }
0x46: {  	(v2sf) =	vpush v0, $0x0  }
0x47: {  	(v2sf) =	vpush v0, $0x2  }
0x48: {  	(v2sf) =	vpush v0, $0x3  }
0x49: {  	(v2sf) =	vpush v0, $0x4  }
0x4a: {  	(v2sf) =	vpush v0, $0x5  }
0x4b: {  	(v2sf) =	vpush v0, $0x6  }
0x4c: {  	(v2sf) =	vpush v0, $0x7  }
0x4d: {  	(v2sf) =	vpush v0, $0x8  }
0x4e: {  	(v2sf) =	vpush v0, $0x9  }
0x4f: {  	(v2sf) =	vpush v0, $0xA  }
0x50: {  	(v2sf) =	vpush v0, $0xB  }
0x51: {  	(v2sf) =	vpush v0, $0xC  }
0x52: {  	(v2sf) =	vpush v0, $0xD  }
0x53: {  	(v2sf) =	vpush v0, $0xE  }
0x54: {  	s5 =	sshll.u32 s5, $0xC;
	s9 =	spop (v2sf);
	(v2sf) =	vpush v0, $0xF  }
0x55: {  	s7 =	spop (v2sf);
	s5 =	sadd.s32 s9, s5  }
0x56: {  	s10 =	spop (v2sf);
	s5 =	sadd.s32 s7, s5  }
0x57: {  	s11 =	spop (v2sf);
	s5 =	sadd.s32 s10, s5  }
0x58: {  	s12 =	spop (v2sf);
	s5 =	sadd.s32 s11, s5  }
0x59: {  	s13 =	spop (v2sf);
	s5 =	sadd.s32 s12, s5  }
0x5a: {  	s14 =	spop (v2sf);
	s5 =	sadd.s32 s13, s5  }
0x5b: {  	s15 =	spop (v2sf);
	s5 =	sadd.s32 s14, s5  }
0x5c: {  	s16 =	spop (v2sf);
	s5 =	sadd.s32 s15, s5  }
0x5d: {  	s17 =	spop (v2sf);
	s5 =	sadd.s32 s16, s5  }
0x5e: {  	s18 =	spop (v2sf);
	s5 =	sadd.s32 s17, s5  }
0x5f: {  	s19 =	spop (v2sf);
	s5 =	sadd.s32 s18, s5  }
0x60: {  	s20 =	spop (v2sf);
	s5 =	sadd.s32 s19, s5  }
0x61: {  	s21 =	spop (v2sf);
	s5 =	sadd.s32 s20, s5  }
0x62: {  	s22 =	spop (v2sf);
	s5 =	sadd.s32 s21, s5  }
0x63: {  	s23 =	spop (v2sf);
	s5 =	sadd.s32 s22, s5  }
0x64: {  	s5 =	sadd.s32 s23, s5  }
0x65: {  	s5 =	sadd.s32 $0xFFFFFFFF, s5  }
0x66: {  	s24 =	sand.u32 $0x3, s1;
	s25 =	sshll.u32 s5, $0xC  }
0x67: {  	s8 =	sshll.u32 s24, $0xD;
	s5 =	sshll.u32 s5, $0x7;
	s7 =	sand.u32 $0xFFFF8000, s25  }
0x68: {  	s5 =	sand.u32 $0x380, s5;
	s7 =	sor.u32 s8, s7  }
0x69: {  	s5 =	sor.u32 s5, s7  }
0x6a: {  	s26 =	simm.s32 $0x80;
	s28 =	simm.s32 $0x400;
	s5 =	sshrl.u32 s5, $0x3  }
0x6b: {  	s29 =	simm.s32 $0x1000;
	s30 =	simm.s32 $0x3;
	s4 =	sadd.s32 s4, s5  }
0x6c: {  	[tilespmem:s29], [sflag:$0x3] =	stream.strided.gather [hbm4b:s4+s26], $0x400, s28, s26, $0x38;
	[tilespmem:$0x1400] =	vst v63  }
0x6d: {  	s6 =	sshll.u32 s24, $0x9;
	_ =	swait.ge [sflag:s30], $0x400  }
0x6e: {  	s2 =	sadd.s32 s2, s6;
	[sflag:s30] =	ssyncset.done $0x0  }
0x6f: {  	s31 =	simm.s32 $0x200;
	s2 =	sadd.s32 s3, s2;
	[sflag:s30] =	ssyncadd.s32 $0xFFFFFC00  }
0x70: {  	[hbm4b:s2+s26] =	stream.strided.scatter [tilespmem:s29], [sflag:$0x3], $0x400, s31, s26, $0x38;
	[tilespmem:$0x1400] =	vst v63  }
0x71: {  	_ =	swait.ge [sflag:s30], $0x400  }
0x72: {  	[sflag:s30] =	ssyncset.done $0x0  }
0x73: {  	[sflag:s30] =	ssyncadd.s32 $0xFFFFFC00  }
0x74: {  	_ =	sfence.sel $0x180000  }
0x75: {  	[bflag:$0x0] =	sbarrier.arrive $0xFFFF  }
0x76: {  	p0 =	sne.s32 s1, $0x0;
	_ =	strace $0x90000047  }
0x77: {  	s0 =	sadd.s32 @!p0 $0x100000, s0;
	[bflag:$0x2] =	sbarrier.arrive $0xFFFF  }
0x78: {  	[sflag:s0] =	ssyncadd.tile.s32 @!p0 $0x1;
	_ =	shalt  }
.Lfunc_end2:
_tile_overlayer_lowered:
.L_overlay_start_2:
0x79: {  	(tag) =	ssettag $0x2  }
0x7a: {  	s0 =	rddreg [dreg:$0x0];
	s2 =	stileid.u32  }
0x7b: {  	s1 =	rddreg [dreg:$0x1];
	p0 =	sne.s32 s2, $0x0  }
0x7c: {  	s3 =	rddreg [dreg:$0x2];
	[bflag:$0x3] =	sbarrier.arrive $0xFFFF;
	s2 =	simm.s32 @!p0 $0x1C03  }
0x7d: {  	[timem:s3], [sflag:s2] =	dma.local @!p0 [hbm:s0], s1  }
0x7e: {  	s0 =	simm.s32 @!p0 $0x3  }
0x7f: {  	_ =	swait.ge @!p0 [sflag:s0], s1  }
0x80: {  	s1 =	ssub.s32 @!p0 $0x0, s1;
	[sflag:s0] =	ssyncset.done @!p0 $0x0  }
0x81: {  	[sflag:s0] =	ssyncadd.s32 @!p0 s1  }
0x82: {  	[bflag:$0x3] =	sbarrier.arrive $0xFFFF  }
0x83: {  	_ =	shalt  }

</sc_bundles>
